<compile_context>
chip_gen: v7x
topology: tpu7x:2x2x1
jax: 0.10.2.dev20260603
libtpu: 0.0.44.dev20260713+nightly
codegen_flags: <defaults>
</compile_context>

<pallas_src>
import jax
import jax.numpy as jnp
from jax import lax
from jax.experimental import pallas as pl
from jax.experimental.pallas import tpu as pltpu
from jax.experimental.pallas import tpu_sc as plsc

N = 10000
D = 128
E = 320000

NC = 2
NS = 16
NW = NC * NS
CHUNK = 128
SBC = 8
K = 80
SB = K // SBC
NSB = SB + 1
NO = SB // 2
E_PAD = NW * CHUNK * K
N_ACC = 10112
ROWS_PER_TILE = N_ACC // NS
CNT_W = 16


def _sc_agg_body(table, idx_hbm, out, rows0, rows1, sib0, sib1,
                 dib0, dib1, acc, is0, is1, gs0, gs1):
    c = lax.axis_index("c")
    s = lax.axis_index("s")
    wid = s * NC + c
    rows = [rows0, rows1]
    sib = [sib0, sib1]
    dib = [dib0, dib1]
    isem = [is0, is1]
    gsem = [gs0, gs1]

    cbase = wid * K

    def ld_sb(kind, sb_idx, ib_ref, sem):
        return pltpu.async_copy(
            idx_hbm.at[kind, pl.ds(cbase + sb_idx * SBC, SBC)], ib_ref, sem)

    def ld_sb_wait(kind, sb_idx, ib_ref, sem):
        pltpu.make_async_copy(
            idx_hbm.at[kind, pl.ds(cbase + sb_idx * SBC, SBC)], ib_ref,
            sem).wait()

    cps = [ld_sb(0, 0, sib0, is0), ld_sb(1, 0, dib0, is0),
           ld_sb(0, 1, sib1, is1), ld_sb(1, 1, dib1, is1)]

    @pl.loop(0, CHUNK)
    def _(i):
        @pl.loop(0, D, step=16)
        def _(j):
            rows0[i, pl.ds(j, 16)] = jnp.zeros((16,), jnp.float32)

    base = s * ROWS_PER_TILE
    nz = ROWS_PER_TILE // CHUNK
    rem = ROWS_PER_TILE - nz * CHUNK

    @pl.loop(0, nz)
    def _(q):
        pltpu.sync_copy(rows0, acc.at[pl.ds(base + q * CHUNK, CHUNK)])
    if rem:
        pltpu.sync_copy(rows0.at[pl.ds(0, rem)],
                        acc.at[pl.ds(base + nz * CHUNK, rem)])

    for cp in cps:
        cp.wait()
    plsc.subcore_barrier()

    def gather(ib_sel, row, slot):
        pltpu.async_copy(table.at[sib[ib_sel].at[row]], rows[slot],
                         gsem[slot])

    def step(o, p, c, first=False, last=False):
        b = (p * SBC + c) % 2
        pltpu.make_async_copy(table.at[sib[p].at[c]], rows[b],
                              gsem[b]).wait()
        pltpu.sync_copy(rows[b], acc.at[dib[p].at[c]], add=True)
        if c == 2:
            if p == 0:
                if not first:
                    ld_sb(0, 2 * o + 1, sib1, is1)
                    ld_sb(1, 2 * o + 1, dib1, is1)
            elif not last:
                ld_sb(0, 2 * o + 2, sib0, is0)
                ld_sb(1, 2 * o + 2, dib0, is0)
        if c == 6:
            if p == 0:
                if not first:
                    ld_sb_wait(0, 2 * o + 1, sib1, is1)
                    ld_sb_wait(1, 2 * o + 1, dib1, is1)
            elif not last:
                ld_sb_wait(0, 2 * o + 2, sib0, is0)
                ld_sb_wait(1, 2 * o + 2, dib0, is0)
        if c < 6:
            gather(p, c + 2, b)
        elif not (last and p == 1):
            gather(1 - p, c - 6, b)

    gather(0, 0, 0)
    gather(0, 1, 1)

    for p in range(2):
        for cc in range(SBC):
            step(0, p, cc, first=True)

    @pl.loop(1, NO - 1)
    def _(o):
        for p in range(2):
            for cc in range(SBC):
                step(o, p, cc)

    for p in range(2):
        for cc in range(SBC):
            step(NO - 1, p, cc, last=True)

    plsc.subcore_barrier()

    pltpu.sync_copy(acc.at[pl.ds(base, ROWS_PER_TILE)],
                    out.at[c, pl.ds(base, ROWS_PER_TILE)])


@jax.jit
def _sc_agg(table, idx_hbm):
    mesh = plsc.VectorSubcoreMesh(core_axis_name="c", subcore_axis_name="s")
    kfn = pl.kernel(
        _sc_agg_body,
        out_type=jax.ShapeDtypeStruct((NC, N_ACC, D), jnp.float32),
        mesh=mesh,
        scratch_types=(
            [pltpu.VMEM((CHUNK, D), jnp.float32) for _ in range(2)]
            + [pltpu.VMEM((SBC, CHUNK), jnp.int32) for _ in range(4)]
            + [pltpu.VMEM_SHARED((N_ACC, D), jnp.float32)]
            + [pltpu.SemaphoreType.DMA for _ in range(4)]
        ),
        compiler_params=pltpu.CompilerParams(use_tc_tiling_on_sc=True),
    )
    return kfn(table, idx_hbm)


def _sc_cnt_body(idx_hbm, out, dst_v, ones_v, zero_v, acc, isem):
    c = lax.axis_index("c")
    s = lax.axis_index("s")
    wid = s * NC + c

    cp = pltpu.async_copy(idx_hbm.at[1, pl.ds(wid * K, K)], dst_v, isem)

    @pl.loop(0, CHUNK)
    def _(i):
        ones_v[i, pl.ds(0, CNT_W)] = jnp.ones((CNT_W,), jnp.float32)
        zero_v[i, pl.ds(0, CNT_W)] = jnp.zeros((CNT_W,), jnp.float32)

    base = s * ROWS_PER_TILE
    nz = ROWS_PER_TILE // CHUNK
    rem = ROWS_PER_TILE - nz * CHUNK

    @pl.loop(0, nz)
    def _(q):
        pltpu.sync_copy(zero_v, acc.at[pl.ds(base + q * CHUNK, CHUNK)])
    if rem:
        pltpu.sync_copy(zero_v.at[pl.ds(0, rem)],
                        acc.at[pl.ds(base + nz * CHUNK, rem)])

    cp.wait()
    plsc.subcore_barrier()

    @pl.loop(0, K)
    def _(j):
        pltpu.sync_copy(ones_v, acc.at[dst_v.at[j]], add=True)

    plsc.subcore_barrier()
    pltpu.sync_copy(acc.at[pl.ds(base, ROWS_PER_TILE)],
                    out.at[c, pl.ds(base, ROWS_PER_TILE)])


@jax.jit
def _sc_cnt(idx_hbm):
    mesh = plsc.VectorSubcoreMesh(core_axis_name="c", subcore_axis_name="s")
    kfn = pl.kernel(
        _sc_cnt_body,
        out_type=jax.ShapeDtypeStruct((NC, N_ACC, CNT_W), jnp.float32),
        mesh=mesh,
        scratch_types=[
            pltpu.VMEM((K, CHUNK), jnp.int32),
            pltpu.VMEM((CHUNK, CNT_W), jnp.float32),
            pltpu.VMEM((CHUNK, CNT_W), jnp.float32),
            pltpu.VMEM_SHARED((N_ACC, CNT_W), jnp.float32),
            pltpu.SemaphoreType.DMA,
        ],
        compiler_params=pltpu.CompilerParams(use_tc_tiling_on_sc=False),
    )
    return kfn(idx_hbm)


def _tc_pre_body(x_ref, wl_ref, wr_ref, b_ref, y_ref, r_ref):
    xv = x_ref[...]
    y_ref[...] = jnp.dot(xv, wl_ref[...], preferred_element_type=jnp.float32)
    r_ref[...] = jnp.dot(xv, wr_ref[...], preferred_element_type=jnp.float32) + b_ref[...]


@jax.jit
def _tc_pre(x, wl_t, wr_t, b):
    return pl.pallas_call(
        _tc_pre_body,
        out_shape=(jax.ShapeDtypeStruct((N, D), jnp.float32),
                   jax.ShapeDtypeStruct((N, D), jnp.float32)),
    )(x, wl_t, wr_t, b)


def _mean_from_partials(p_ref, c_ref):
    ssum = p_ref[0, :N, :] + p_ref[1, :N, :]
    cnt16 = c_ref[0, :N, :] + c_ref[1, :N, :]
    cnt = jnp.max(cnt16, axis=1, keepdims=True)
    return ssum / jnp.maximum(cnt, 1.0)


def _tc_mid_body(p_ref, c_ref, r1_ref, wl_ref, wr_ref, b_ref, y_ref, r2_ref):
    h = jnp.maximum(_mean_from_partials(p_ref, c_ref) + r1_ref[...], 0.0)
    y_ref[...] = jnp.dot(h, wl_ref[...], preferred_element_type=jnp.float32)
    r2_ref[...] = jnp.dot(h, wr_ref[...], preferred_element_type=jnp.float32) + b_ref[...]


@jax.jit
def _tc_mid(p1, cnt, r1, wl_t, wr_t, b):
    return pl.pallas_call(
        _tc_mid_body,
        out_shape=(jax.ShapeDtypeStruct((N, D), jnp.float32),
                   jax.ShapeDtypeStruct((N, D), jnp.float32)),
    )(p1, cnt, r1, wl_t, wr_t, b)


def _tc_post_body(p_ref, c_ref, r2_ref, out_ref):
    out_ref[...] = _mean_from_partials(p_ref, c_ref) + r2_ref[...]


@jax.jit
def _tc_post(p2, cnt, r2):
    return pl.pallas_call(
        _tc_post_body,
        out_shape=jax.ShapeDtypeStruct((N, D), jnp.float32),
    )(p2, cnt, r2)


def kernel(x, edgeIndex, W1_l, b1_l, W1_r, W2_l, b2_l, W2_r):
    pad = E_PAD - E
    pad_src = (jnp.arange(pad, dtype=jnp.int32) * 37) % N
    pad_dst = N + (jnp.arange(pad, dtype=jnp.int32) % (N_ACC - N))
    idx = jnp.concatenate([edgeIndex, jnp.stack([pad_src, pad_dst])], axis=1)
    idx = idx.reshape(2, NW * K, CHUNK)

    cnt = _sc_cnt(idx)
    y1, r1 = _tc_pre(x, W1_l.T, W1_r.T, b1_l[None, :])
    p1 = _sc_agg(y1, idx)
    y2, r2 = _tc_mid(p1, cnt, r1, W2_l.T, W2_r.T, b2_l[None, :])
    p2 = _sc_agg(y2, idx)
    return _tc_post(p2, cnt, r2)

# --- scband reference (transcript-rebuilt; emitter-appended) ---
"""Pipeline reference for scband-spatial-encoder-5935644803789 (READ-ONLY COPY).

The authoritative reference and input builder live on the scoring server;
editing this copy changes nothing except your own understanding.
"""

import jax, jax.numpy as jnp
import numpy as np

N = 10000
E = 320000
D_IN = 128
D_HID = 128
D_OUT = 128


def _glorot(key, shape):
    fan_in = shape[1]
    return jax.random.normal(key, shape, dtype=jnp.float32) * (1.0 / np.sqrt(fan_in))


def setup_inputs(seed: int = 0) -> dict:
    key = jax.random.key(seed)
    ks = jax.random.split(key, 8)
    x = jax.random.normal(ks[0], (N, D_IN), dtype=jnp.float32)
    edgeIndex = jax.random.randint(ks[1], (2, E), 0, N, dtype=jnp.int32)
    # SAGEConv layer 1 params: lin_l (aggregated neighbors, with bias), lin_r (root, no bias)
    W1_l = _glorot(ks[2], (D_HID, D_IN))
    b1_l = jnp.zeros((D_HID,), dtype=jnp.float32)
    W1_r = _glorot(ks[3], (D_HID, D_IN))
    # SAGEConv layer 2 params
    W2_l = _glorot(ks[4], (D_OUT, D_HID))
    b2_l = jnp.zeros((D_OUT,), dtype=jnp.float32)
    W2_r = _glorot(ks[5], (D_OUT, D_HID))
    return {"x": x, "edgeIndex": edgeIndex, "W1_l": W1_l, "b1_l": b1_l, "W1_r": W1_r,
            "W2_l": W2_l, "b2_l": b2_l, "W2_r": W2_r}


def _sage_conv(x, edge_index, W_l, b_l, W_r):
    # PyG SAGEConv with mean aggregation:
    # out = lin_l(mean_{j in N(i)} x_j) + lin_r(x_i)
    src = edge_index[0]
    dst = edge_index[1]
    n = x.shape[0]
    msg = jnp.take(x, src, axis=0)                                   # gather
    agg = jax.ops.segment_sum(msg, dst, num_segments=n)              # scatter-add
    cnt = jax.ops.segment_sum(jnp.ones((edge_index.shape[1],), dtype=x.dtype), dst, num_segments=n)
    mean = agg / jnp.clip(cnt, 1.0)[:, None]
    return mean @ W_l.T + b_l + x @ W_r.T


def reference(x, edgeIndex, W1_l, b1_l, W1_r, W2_l, b2_l, W2_r):
    h = _sage_conv(x, edgeIndex, W1_l, b1_l, W1_r)
    h = jax.nn.relu(h)
    # dropout is identity in eval mode (training=False)
    out = _sage_conv(h, edgeIndex, W2_l, b2_l, W2_r)
    return out

if __name__ == "__main__":
    import jax
    _d = setup_inputs()
    print(jax.jit(kernel)(*tuple(_d.values())))

</pallas_src>

<mosaic_0001>
#map = affine_map<(d0, d1) -> (0, 0, 0)>
module attributes {stable_mosaic.version = 14 : i64} {
  func.func @_sc_cnt_body(%arg0: i32, %arg1: i32, %arg2: memref<2x2560x128xi32, #tpu.memory_space<hbm>>, %arg3: memref<2x10112x16xf32, #tpu.memory_space<hbm>>, %arg4: memref<80x128xi32, #tpu.memory_space<vmem>>, %arg5: memref<128x16xf32, #tpu.memory_space<vmem>>, %arg6: memref<128x16xf32, #tpu.memory_space<vmem>>, %arg7: memref<10112x16xf32, #tpu.memory_space<vmem_shared>>, %arg8: memref<!tpu.dma_semaphore, #tpu.memory_space<semaphore_mem>>) attributes {dimension_semantics = [#tpu.dimension_semantics<core_parallel>, #tpu.dimension_semantics<subcore_parallel>], iteration_bounds = array<i64: 2, 16>, scalar_prefetch = 0 : i64, scratch_operands = 5 : i64, tpu.core_type = #tpu.core_type<sc_vector_subcore>, window_params = [{transform_indices = #map}, {transform_indices = #map}]} {
    %mul3A = arith.constant 2 : i32
    %mul3A_0 = arith.muli %arg1, %mul3A : i32
    %add3A = arith.addi %mul3A_0, %arg0 : i32
    %mul3A_1 = arith.constant 80 : i32
    %mul3A_2 = arith.muli %add3A, %mul3A_1 : i32
    %dma_start3A = arith.constant 1 : i32
    %dma_start3A_3 = arith.constant 0 : i32
    %dma_start3A_4 = tpu.memref_slice %arg2[%dma_start3A, %mul3A_2, %dma_start3A_3] : memref<2x2560x128xi32, #tpu.memory_space<hbm>> -> memref<1x80x128xi32, #tpu.memory_space<hbm>>
    %dma_start3A_5 = tpu.memref_squeeze %dma_start3A_4 : memref<1x80x128xi32, #tpu.memory_space<hbm>> -> memref<80x128xi32, #tpu.memory_space<hbm>>
    %dma_start3A_6 = arith.constant 0 : i32
    %dma_start3A_7 = tpu.memref_slice %arg2[%dma_start3A, %mul3A_2, %dma_start3A_6] : memref<2x2560x128xi32, #tpu.memory_space<hbm>> -> memref<1x80x128xi32, #tpu.memory_space<hbm>>
    %dma_start3A_8 = tpu.memref_squeeze %dma_start3A_7 : memref<1x80x128xi32, #tpu.memory_space<hbm>> -> memref<80x128xi32, #tpu.memory_space<hbm>>
    tpu.enqueue_dma source(%dma_start3A_8 : memref<80x128xi32, #tpu.memory_space<hbm>>) target(%arg4 : memref<80x128xi32, #tpu.memory_space<vmem>>) target_semaphore(%arg8 : memref<!tpu.dma_semaphore, #tpu.memory_space<semaphore_mem>>)
    %scan3A = arith.constant 0 : i32
    %scan3A_9 = arith.constant 128 : i32
    %scan3A_10 = arith.addi %scan3A, %scan3A_9 : i32
    %scan3A_11 = arith.constant 1 : i32
    scf.for %scan3A_34 = %scan3A to %scan3A_10 step %scan3A_11  : i32 {
      %mul3A_35 = arith.constant 1 : i32
      %mul3A_36 = arith.muli %scan3A_34, %mul3A_35 : i32
      %add3A_37 = arith.constant 0 : i32
      %add3A_38 = arith.addi %add3A_37, %mul3A_36 : i32
      %broadcast_in_dim3A = arith.constant 1.000000e+00 : f32
      %broadcast_in_dim3A_39 = vector.broadcast %broadcast_in_dim3A : f32 to vector<16xf32>
      %swap3A = arith.index_cast %add3A_38 : i32 to index
      %swap3A_40 = arith.constant 0 : index
      %swap3A_41 = tpu.vector_load %arg5[%swap3A, %swap3A_40] {strides = array<i32>} : memref<128x16xf32, #tpu.memory_space<vmem>>, vector<1x16xf32>,
      %swap3A_42 = vector.shape_cast %swap3A_41 : vector<1x16xf32> to vector<16xf32>
      %swap3A_43 = vector.shape_cast %broadcast_in_dim3A_39 : vector<16xf32> to vector<1x16xf32>
      tpu.vector_store %arg5[%swap3A, %swap3A_40], %swap3A_43 {strides = array<i32>} : memref<128x16xf32, #tpu.memory_space<vmem>>, vector<1x16xf32>,
      %broadcast_in_dim3A_44 = arith.constant 0.000000e+00 : f32
      %broadcast_in_dim3A_45 = vector.broadcast %broadcast_in_dim3A_44 : f32 to vector<16xf32>
      %swap3A_46 = arith.index_cast %add3A_38 : i32 to index
      %swap3A_47 = arith.constant 0 : index
      %swap3A_48 = tpu.vector_load %arg6[%swap3A_46, %swap3A_47] {strides = array<i32>} : memref<128x16xf32, #tpu.memory_space<vmem>>, vector<1x16xf32>,
      %swap3A_49 = vector.shape_cast %swap3A_48 : vector<1x16xf32> to vector<16xf32>
      %swap3A_50 = vector.shape_cast %broadcast_in_dim3A_45 : vector<16xf32> to vector<1x16xf32>
      tpu.vector_store %arg6[%swap3A_46, %swap3A_47], %swap3A_50 {strides = array<i32>} : memref<128x16xf32, #tpu.memory_space<vmem>>, vector<1x16xf32>,
    }
    %scan3A_12 = arith.constant 128 : i32
    %mul3A_13 = arith.constant 632 : i32
    %mul3A_14 = arith.muli %arg1, %mul3A_13 : i32
    %scan3A_15 = arith.constant 0 : i32
    %scan3A_16 = arith.constant 4 : i32
    %scan3A_17 = arith.addi %scan3A_15, %scan3A_16 : i32
    %scan3A_18 = arith.constant 1 : i32
    scf.for %scan3A_34 = %scan3A_15 to %scan3A_17 step %scan3A_18  : i32 {
      %mul3A_35 = arith.constant 1 : i32
      %mul3A_36 = arith.muli %scan3A_34, %mul3A_35 : i32
      %add3A_37 = arith.constant 0 : i32
      %add3A_38 = arith.addi %add3A_37, %mul3A_36 : i32
      %mul3A_39 = arith.constant 128 : i32
      %mul3A_40 = arith.muli %add3A_38, %mul3A_39 : i32
      %add3A_41 = arith.addi %mul3A_14, %mul3A_40 : i32
      "tpu.region"() ({
        %run_scoped3A = tpu.sem_alloc : memref<!tpu.dma_semaphore, #tpu.memory_space<semaphore_mem>>
        %dma_start3A_42 = arith.constant 0 : i32
        %dma_start3A_43 = tpu.memref_slice %arg7[%add3A_41, %dma_start3A_42] : memref<10112x16xf32, #tpu.memory_space<vmem_shared>> -> memref<128x16xf32, #tpu.memory_space<vmem_shared>>
        %dma_start3A_44 = arith.constant 0 : i32
        %dma_start3A_45 = tpu.memref_slice %arg7[%add3A_41, %dma_start3A_44] : memref<10112x16xf32, #tpu.memory_space<vmem_shared>> -> memref<128x16xf32, #tpu.memory_space<vmem_shared>>
        tpu.enqueue_dma source(%arg6 : memref<128x16xf32, #tpu.memory_space<vmem>>) target(%dma_start3A_45 : memref<128x16xf32, #tpu.memory_space<vmem_shared>>) target_semaphore(%run_scoped3A : memref<!tpu.dma_semaphore, #tpu.memory_space<semaphore_mem>>)
        %dma_wait3A_46 = arith.constant 0 : i32
        %dma_wait3A_47 = tpu.memref_slice %arg7[%add3A_41, %dma_wait3A_46] : memref<10112x16xf32, #tpu.memory_space<vmem_shared>> -> memref<128x16xf32, #tpu.memory_space<vmem_shared>>
        %dma_wait3A_48 = arith.constant 0 : i32
        %dma_wait3A_49 = tpu.memref_slice %arg7[%add3A_41, %dma_wait3A_48] : memref<10112x16xf32, #tpu.memory_space<vmem_shared>> -> memref<128x16xf32, #tpu.memory_space<vmem_shared>>
        tpu.wait_dma2 semaphore(%run_scoped3A : memref<!tpu.dma_semaphore, #tpu.memory_space<semaphore_mem>>) src(%arg6 : memref<128x16xf32, #tpu.memory_space<vmem>>) dst(%dma_wait3A_49 : memref<128x16xf32, #tpu.memory_space<vmem_shared>>)
        tpu.yield
      }) : () -> ()
    }
    %scan3A_19 = arith.constant 4 : i32
    %add3A_20 = arith.constant 512 : i32
    %add3A_21 = arith.addi %mul3A_14, %add3A_20 : i32
    "tpu.region"() ({
      %run_scoped3A = tpu.sem_alloc : memref<!tpu.dma_semaphore, #tpu.memory_space<semaphore_mem>>
      %dma_start3A_34 = arith.constant 0 : i32
      %dma_start3A_35 = arith.constant 0 : i32
      %dma_start3A_36 = tpu.memref_slice %arg6[%dma_start3A_34, %dma_start3A_35] : memref<128x16xf32, #tpu.memory_space<vmem>> -> memref<120x16xf32, #tpu.memory_space<vmem>>
      %dma_start3A_37 = arith.constant 0 : i32
      %dma_start3A_38 = tpu.memref_slice %arg7[%add3A_21, %dma_start3A_37] : memref<10112x16xf32, #tpu.memory_space<vmem_shared>> -> memref<120x16xf32, #tpu.memory_space<vmem_shared>>
      %dma_start3A_39 = arith.constant 0 : i32
      %dma_start3A_40 = tpu.memref_slice %arg7[%add3A_21, %dma_start3A_39] : memref<10112x16xf32, #tpu.memory_space<vmem_shared>> -> memref<120x16xf32, #tpu.memory_space<vmem_shared>>
      %dma_start3A_41 = arith.constant 0 : i32
      %dma_start3A_42 = arith.constant 0 : i32
      %dma_start3A_43 = tpu.memref_slice %arg6[%dma_start3A_41, %dma_start3A_42] : memref<128x16xf32, #tpu.memory_space<vmem>> -> memref<120x16xf32, #tpu.memory_space<vmem>>
      tpu.enqueue_dma source(%dma_start3A_43 : memref<120x16xf32, #tpu.memory_space<vmem>>) target(%dma_start3A_40 : memref<120x16xf32, #tpu.memory_space<vmem_shared>>) target_semaphore(%run_scoped3A : memref<!tpu.dma_semaphore, #tpu.memory_space<semaphore_mem>>)
      %dma_wait3A_44 = arith.constant 0 : i32
      %dma_wait3A_45 = arith.constant 0 : i32
      %dma_wait3A_46 = tpu.memref_slice %arg6[%dma_wait3A_44, %dma_wait3A_45] : memref<128x16xf32, #tpu.memory_space<vmem>> -> memref<120x16xf32, #tpu.memory_space<vmem>>
      %dma_wait3A_47 = arith.constant 0 : i32
      %dma_wait3A_48 = tpu.memref_slice %arg7[%add3A_21, %dma_wait3A_47] : memref<10112x16xf32, #tpu.memory_space<vmem_shared>> -> memref<120x16xf32, #tpu.memory_space<vmem_shared>>
      %dma_wait3A_49 = arith.constant 0 : i32
      %dma_wait3A_50 = tpu.memref_slice %arg7[%add3A_21, %dma_wait3A_49] : memref<10112x16xf32, #tpu.memory_space<vmem_shared>> -> memref<120x16xf32, #tpu.memory_space<vmem_shared>>
      %dma_wait3A_51 = arith.constant 0 : i32
      %dma_wait3A_52 = arith.constant 0 : i32
      %dma_wait3A_53 = tpu.memref_slice %arg6[%dma_wait3A_51, %dma_wait3A_52] : memref<128x16xf32, #tpu.memory_space<vmem>> -> memref<120x16xf32, #tpu.memory_space<vmem>>
      tpu.wait_dma2 semaphore(%run_scoped3A : memref<!tpu.dma_semaphore, #tpu.memory_space<semaphore_mem>>) src(%dma_wait3A_53 : memref<120x16xf32, #tpu.memory_space<vmem>>) dst(%dma_wait3A_50 : memref<120x16xf32, #tpu.memory_space<vmem_shared>>)
      tpu.yield
    }) : () -> ()
    %dma_wait3A = arith.constant 1 : i32
    %dma_wait3A_22 = arith.constant 0 : i32
    %dma_wait3A_23 = tpu.memref_slice %arg2[%dma_wait3A, %mul3A_2, %dma_wait3A_22] : memref<2x2560x128xi32, #tpu.memory_space<hbm>> -> memref<1x80x128xi32, #tpu.memory_space<hbm>>
    %dma_wait3A_24 = tpu.memref_squeeze %dma_wait3A_23 : memref<1x80x128xi32, #tpu.memory_space<hbm>> -> memref<80x128xi32, #tpu.memory_space<hbm>>
    %dma_wait3A_25 = arith.constant 0 : i32
    %dma_wait3A_26 = tpu.memref_slice %arg2[%dma_wait3A, %mul3A_2, %dma_wait3A_25] : memref<2x2560x128xi32, #tpu.memory_space<hbm>> -> memref<1x80x128xi32, #tpu.memory_space<hbm>>
    %dma_wait3A_27 = tpu.memref_squeeze %dma_wait3A_26 : memref<1x80x128xi32, #tpu.memory_space<hbm>> -> memref<80x128xi32, #tpu.memory_space<hbm>>
    tpu.wait_dma2 semaphore(%arg8 : memref<!tpu.dma_semaphore, #tpu.memory_space<semaphore_mem>>) src(%dma_wait3A_27 : memref<80x128xi32, #tpu.memory_space<hbm>>) dst(%arg4 : memref<80x128xi32, #tpu.memory_space<vmem>>)
    %barrier3A = arith.constant 0 : index
    tpu.barrier barrier_id(%barrier3A)
    %scan3A_28 = arith.constant 0 : i32
    %scan3A_29 = arith.constant 80 : i32
    %scan3A_30 = arith.addi %scan3A_28, %scan3A_29 : i32
    %scan3A_31 = arith.constant 1 : i32
    scf.for %scan3A_34 = %scan3A_28 to %scan3A_30 step %scan3A_31  : i32 {
      %mul3A_35 = arith.constant 1 : i32
      %mul3A_36 = arith.muli %scan3A_34, %mul3A_35 : i32
      %add3A_37 = arith.constant 0 : i32
      %add3A_38 = arith.addi %add3A_37, %mul3A_36 : i32
      "tpu.region"() ({
        %run_scoped3A = tpu.sem_alloc : memref<!tpu.dma_semaphore, #tpu.memory_space<semaphore_mem>>
        %dma_start3A_39 = arith.constant 0 : i32
        %dma_start3A_40 = tpu.memref_slice %arg4[%add3A_38, %dma_start3A_39] : memref<80x128xi32, #tpu.memory_space<vmem>> -> memref<1x128xi32, #tpu.memory_space<vmem>>
        %dma_start3A_41 = tpu.memref_squeeze %dma_start3A_40 : memref<1x128xi32, #tpu.memory_space<vmem>> -> memref<128xi32, #tpu.memory_space<vmem>>
        %dma_start3A_42 = arith.constant 0 : i32
        %dma_start3A_43 = arith.constant 0 : i32
        %dma_start3A_44 = tpu.memref_slice %arg7[%dma_start3A_42, %dma_start3A_43] : memref<10112x16xf32, #tpu.memory_space<vmem_shared>> -> memref<10112x16xf32, #tpu.memory_space<vmem_shared>>
        tpu.enqueue_indirect_dma source(%arg5 : memref<128x16xf32, #tpu.memory_space<vmem>>) target(%dma_start3A_44 : memref<10112x16xf32, #tpu.memory_space<vmem_shared>>) offsets(%dma_start3A_41 : memref<128xi32, #tpu.memory_space<vmem>>) semaphore(%run_scoped3A : memref<!tpu.dma_semaphore, #tpu.memory_space<semaphore_mem>>) {add = true}
        %dma_wait3A_45 = arith.constant 0 : i32
        %dma_wait3A_46 = tpu.memref_slice %arg4[%add3A_38, %dma_wait3A_45] : memref<80x128xi32, #tpu.memory_space<vmem>> -> memref<1x128xi32, #tpu.memory_space<vmem>>
        %dma_wait3A_47 = tpu.memref_squeeze %dma_wait3A_46 : memref<1x128xi32, #tpu.memory_space<vmem>> -> memref<128xi32, #tpu.memory_space<vmem>>
        %dma_wait3A_48 = arith.constant 0 : i32
        %dma_wait3A_49 = arith.constant 0 : i32
        %dma_wait3A_50 = tpu.memref_slice %arg7[%dma_wait3A_48, %dma_wait3A_49] : memref<10112x16xf32, #tpu.memory_space<vmem_shared>> -> memref<10112x16xf32, #tpu.memory_space<vmem_shared>>
        tpu.wait_indirect_dma semaphore(%run_scoped3A : memref<!tpu.dma_semaphore, #tpu.memory_space<semaphore_mem>>) src(%arg5 : memref<128x16xf32, #tpu.memory_space<vmem>>) dst(%dma_wait3A_50 : memref<10112x16xf32, #tpu.memory_space<vmem_shared>>)
        tpu.yield
      }) : () -> ()
    }
    %scan3A_32 = arith.constant 80 : i32
    %barrier3A_33 = arith.constant 0 : index
    tpu.barrier barrier_id(%barrier3A_33)
    "tpu.region"() ({
      %run_scoped3A = tpu.sem_alloc : memref<!tpu.dma_semaphore, #tpu.memory_space<semaphore_mem>>
      %dma_start3A_34 = arith.constant 0 : i32
      %dma_start3A_35 = tpu.memref_slice %arg3[%arg0, %mul3A_14, %dma_start3A_34] : memref<2x10112x16xf32, #tpu.memory_space<hbm>> -> memref<1x632x16xf32, #tpu.memory_space<hbm>>
      %dma_start3A_36 = tpu.memref_squeeze %dma_start3A_35 : memref<1x632x16xf32, #tpu.memory_space<hbm>> -> memref<632x16xf32, #tpu.memory_space<hbm>>
      %dma_start3A_37 = arith.constant 0 : i32
      %dma_start3A_38 = tpu.memref_slice %arg7[%mul3A_14, %dma_start3A_37] : memref<10112x16xf32, #tpu.memory_space<vmem_shared>> -> memref<632x16xf32, #tpu.memory_space<vmem_shared>>
      tpu.enqueue_dma source(%dma_start3A_38 : memref<632x16xf32, #tpu.memory_space<vmem_shared>>) target(%dma_start3A_36 : memref<632x16xf32, #tpu.memory_space<hbm>>) target_semaphore(%run_scoped3A : memref<!tpu.dma_semaphore, #tpu.memory_space<semaphore_mem>>)
      %dma_wait3A_39 = arith.constant 0 : i32
      %dma_wait3A_40 = tpu.memref_slice %arg3[%arg0, %mul3A_14, %dma_wait3A_39] : memref<2x10112x16xf32, #tpu.memory_space<hbm>> -> memref<1x632x16xf32, #tpu.memory_space<hbm>>
      %dma_wait3A_41 = tpu.memref_squeeze %dma_wait3A_40 : memref<1x632x16xf32, #tpu.memory_space<hbm>> -> memref<632x16xf32, #tpu.memory_space<hbm>>
      %dma_wait3A_42 = arith.constant 0 : i32
      %dma_wait3A_43 = tpu.memref_slice %arg7[%mul3A_14, %dma_wait3A_42] : memref<10112x16xf32, #tpu.memory_space<vmem_shared>> -> memref<632x16xf32, #tpu.memory_space<vmem_shared>>
      tpu.wait_dma2 semaphore(%run_scoped3A : memref<!tpu.dma_semaphore, #tpu.memory_space<semaphore_mem>>) src(%dma_wait3A_43 : memref<632x16xf32, #tpu.memory_space<vmem_shared>>) dst(%dma_wait3A_41 : memref<632x16xf32, #tpu.memory_space<hbm>>)
      tpu.yield
    }) : () -> ()
    return
  }
}

</mosaic_0001>

<sc_bundles>
// kernel: _sc_cnt.3.cloned.1.call-start
scs
__scs_entry_jumppad:
0x0: {  	(pc) =	sbr.rel $0x88, $3  }
0x1: {  	(tag) =	ssettag $0x0;
	lr =	simm.s32 $0x1  }
0x2: {  	[smem:$0x3FA0] =	sst lr;
	_ =	strace $0xD0000000  }
0x3: {  	_ = 	snop  }
0x4: {  	_ = 	snop  }
0x5: {  	_ = 	snop  }
0x6: {  	_ = 	snop  }
0x7: {  	_ = 	snop  }
__scs_overlays_trampoline_lowered:
0x8: {  	[smem:$0x3FAF] =	sst s0  }
0x9: {  	[smem:$0x3FB0] =	sst s1  }
0xa: {  	[smem:$0x3FB1] =	sst s2  }
0xb: {  	[smem:$0x3FB2] =	sst s3  }
0xc: {  	[smem:$0x3FB3] =	sst s4  }
0xd: {  	[smem:$0x3FB4] =	sst s5  }
0xe: {  	[smem:$0x3FB5] =	sst s6  }
0xf: {  	[smem:$0x3FB6] =	sst s7  }
0x10: {  	[smem:$0x3FB7] =	sst s8  }
0x11: {  	[smem:$0x3FB8] =	sst s9;
	s0 =	simm.s32 @!p0 $0x0  }
0x12: {  	s1 =	sld [smem:$0x3F9E];
	s0 =	simm.s32 @p0 $0x1  }
0x13: {  	[smem:$0x3FB9] =	sst s0;
	s0 =	simm.s32 @!p1 $0x0  }
0x14: {  	s2 =	sld [smem:$0x3F9D];
	s0 =	simm.s32 @p1 $0x1  }
0x15: {  	[smem:$0x3FBA] =	sst s0;
	s0 =	simm.s32 @!p2 $0x0  }
0x16: {  	s3 =	sld [smem:$0x3FDB];
	s0 =	simm.s32 @p2 $0x1  }
0x17: {  	s4 =	simm.s32 $0x1BF5;
	[smem:$0x3FBC] =	sst s0  }
0x18: {  	s0 =	sld [smem:$0x3F9F];
	_ =	swait.ge [sflag:s4], $0x0  }
0x19: {  	s7 =	sld [smem:$0x3FA0]  }
0x1a: {  	s8 =	sadd.s32 $0xFFFFE003, lr  }
0x1b: {  	s9 =	sadd.s32 $0xFFFFFEF7, lr;
	s5 =	simm.s32 $0xFFFFFFFF;
	p2 =	slt.u32 s8, $0xFFFFF086  }
0x1c: {  	p1 =	slt.u32 s9, $0xF7A;
	s5 =	simm.s32 @!p2 $0x0  }
0x1d: {  	s5 =	simm.s32 @p1 $0x1;
	p0 =	seq.s32 s7, s2  }
0x1e: {  	s7 =	smul.u32 @!p0 $0xF7A, s2;
	p2 =	seq.s32 @!p0 s5, $0x0  }
0x1f: {  	s9 =	smul.u32 $0xF7A, s1;
	s8 =	simm.s32 @!p0 $0x1BF5;
	p2 =	por !p2, p0  }
0x20: {  	[sflag:s8] =	ssyncset.s32 @!p0 $0xFFFFF086;
	s6 =	sadd.s32 @!p0 s3, s7;
	s7 =	simm.s32 @!p0 $0x108  }
0x21: {  	s3 =	sadd.s32 s3, s9;
	s6 =	sadd.s32 @!p0 $0x88, s6;
	s7 =	simm.s32 @p2 $0x1082  }
0x22: {  	[simem:s7], [sflag:s8] =	dma.local @!p0 [hbm:s6], $0xF7A  }
0x23: {  	s9 =	sor.u32 $0xD0000000, s2;
	s6 =	simm.s32 $0x108;
	_ =	swait.ge @!p0 [sflag:s8], $0x0  }
0x24: {  	s3 =	sadd.s32 $0x88, s3;
	s6 =	simm.s32 @!p1 $0x1082;
	[sflag:s4] =	ssyncset.s32 $0xFFFFF086  }
0x25: {  	[simem:s6], [sflag:s4] =	dma.local [hbm:s3], $0xF7A  }
0x26: {  	[smem:$0x3FA0] =	sst s1;
	(tag) =	ssettag s2;
	_ =	strace s9  }
0x27: {  	s1 =	sld [smem:$0x3FB0]  }
0x28: {  	s2 =	sld [smem:$0x3FB1]  }
0x29: {  	s4 =	sld [smem:$0x3FB3]  }
0x2a: {  	p0 =	seq.s32 s5, $0x0;
	s5 =	sld [smem:$0x3FB4]  }
0x2b: {  	s6 =	sld [smem:$0x3FB5]  }
0x2c: {  	s7 =	sld [smem:$0x3FB6]  }
0x2d: {  	s3 =	simm.s32 $0x108;
	s8 =	sld [smem:$0x3FB7]  }
0x2e: {  	s3 =	simm.s32 @!p0 $0x1082;
	s9 =	sld [smem:$0x3FB8]  }
0x2f: {  	lr =	sadd.s32 s0, s3;
	s0 =	sld [smem:$0x3FAF]  }
0x30: {  	s3 =	sld [smem:$0x3FB2]  }
0x31: {  	[smem:$0x3FBB] =	sst s10  }
0x32: {  	s10 =	sld [smem:$0x3FB9];
	_ =	sdelay $0x3  }
0x33: {  	p0 =	seq.s32 s10, $0x1;
	s10 =	sld [smem:$0x3FBB];
	_ =	sdelay $0x3  }
0x34: {  	[smem:$0x3FBB] =	sst s10  }
0x35: {  	s10 =	sld [smem:$0x3FBA];
	_ =	sdelay $0x3  }
0x36: {  	p1 =	seq.s32 s10, $0x1;
	s10 =	sld [smem:$0x3FBB];
	_ =	sdelay $0x3  }
0x37: {  	[smem:$0x3FBB] =	sst s10  }
0x38: {  	s10 =	sld [smem:$0x3FBC]  }
0x39: {  	_ = 	snop;
	(pc) =	sbr.ind lr, $3  }
0x3a: {  	_ = 	snop  }
0x3b: {  	_ = 	snop  }
0x3c: {  	p2 =	seq.s32 s10, $0x1;
	s10 =	sld [smem:$0x3FBB]  }
0x3d: {  	_ =	shalt  }
0x3e: {  	_ =	shalt  }
0x3f: {  	_ =	shalt  }
0x40: {  	_ =	shalt  }
0x41: {  	_ =	shalt  }
0x42: {  	_ =	shalt  }
0x43: {  	_ =	shalt  }
0x44: {  	_ =	shalt  }
0x45: {  	_ =	shalt  }
0x46: {  	_ =	shalt  }
0x47: {  	_ =	shalt  }
0x48: {  	_ =	shalt  }
0x49: {  	_ =	shalt  }
0x4a: {  	_ =	shalt  }
0x4b: {  	_ =	shalt  }
0x4c: {  	_ =	shalt  }
0x4d: {  	_ =	shalt  }
0x4e: {  	_ =	shalt  }
0x4f: {  	_ =	shalt  }
0x50: {  	_ =	shalt  }
0x51: {  	_ =	shalt  }
0x52: {  	_ =	shalt  }
0x53: {  	_ =	shalt  }
0x54: {  	_ =	shalt  }
0x55: {  	_ =	shalt  }
0x56: {  	_ =	shalt  }
0x57: {  	_ =	shalt  }
0x58: {  	_ =	shalt  }
0x59: {  	_ =	shalt  }
0x5a: {  	_ =	shalt  }
0x5b: {  	_ =	shalt  }
0x5c: {  	_ =	shalt  }
0x5d: {  	_ =	shalt  }
0x5e: {  	_ =	shalt  }
0x5f: {  	_ =	shalt  }
0x60: {  	_ =	shalt  }
0x61: {  	_ =	shalt  }
0x62: {  	_ =	shalt  }
0x63: {  	_ =	shalt  }
0x64: {  	_ =	shalt  }
0x65: {  	_ =	shalt  }
0x66: {  	_ =	shalt  }
0x67: {  	_ =	shalt  }
0x68: {  	_ =	shalt  }
0x69: {  	_ =	shalt  }
0x6a: {  	_ =	shalt  }
0x6b: {  	_ =	shalt  }
0x6c: {  	_ =	shalt  }
0x6d: {  	_ =	shalt  }
0x6e: {  	_ =	shalt  }
0x6f: {  	_ =	shalt  }
0x70: {  	_ =	shalt  }
0x71: {  	_ =	shalt  }
0x72: {  	_ =	shalt  }
0x73: {  	_ =	shalt  }
0x74: {  	_ =	shalt  }
0x75: {  	_ =	shalt  }
0x76: {  	_ =	shalt  }
0x77: {  	_ =	shalt  }
0x78: {  	_ =	shalt  }
0x79: {  	_ =	shalt  }
0x7a: {  	_ =	shalt  }
0x7b: {  	_ =	shalt  }
0x7c: {  	_ =	shalt  }
0x7d: {  	_ =	shalt  }
0x7e: {  	_ =	shalt  }
0x7f: {  	_ =	shalt  }
0x80: {  	_ =	shalt  }
0x81: {  	_ =	shalt  }
0x82: {  	_ =	shalt  }
0x83: {  	_ =	shalt  }
0x84: {  	_ =	shalt  }
0x85: {  	_ =	shalt  }
0x86: {  	_ =	shalt  }
0x87: {  	_ =	shalt  }
.Lfunc_end0:
.L_simem_size_0:
called_computation_lowered:
.L_overlay_start_0:
0x88: {  	s2 =	sld [smem:$0x3FD9]  }
0x89: {  	s3 =	sld [smem:$0x3FFE];
	_ =	sdelay $0x1  }
0x8a: {  	s1 =	srdreg.scid  }
0x8b: {  	s0 =	sand.u32 $0x1, s1  }
0x8c: {  	s18 =	sshll.u32 s0, $0xA;
	s2 =	sadd.s32 s3, s2  }
0x8d: {  	s2 =	sadd.s32 s2, s18  }
0x8e: {  	[smem:$0x3FC7] =	sst s2  }
0x8f: {  	_ = 	snop  }
0x90: {  	s2 =	sld [smem:$0x3FC9]  }
0x91: {  	s19 =	sld [smem:$0x3FD0];
	(tm) =	ssettm $0x1  }
0x92: {  	s4 =	sld [smem:$0x3FFB];
	_ =	sdelay $0x3  }
0x93: {  	_ =	strace s4  }
0x94: {  	s4 =	sld [smem:$0x3FFC];
	_ =	sdelay $0x3  }
0x95: {  	_ =	strace s4  }
0x96: {  	s4 =	sld [smem:$0x3FFD];
	_ =	sdelay $0x3  }
0x97: {  	_ =	strace s4  }
0x98: {  	_ =	strace $0x8FFFFFFF  }
0x99: {  	s20 =	sld [smem:$0x3FDB];
	_ =	sdelay $0x1  }
0x9a: {  	s5 =	simm.s32 $_scs_section_size  }
0x9b: {  	s6 =	simm.s32 $_size__tile_overlayer_lowered;
	s7 =	simm.s32 $_tile_overlayer_lowered  }
0x9c: {  	s23 =	simm.s32 $0x1BFF;
	s22 =	sshll.u32 s7, $0x1;
	s4 =	sadd.s32 s5, s20  }
0x9d: {  	s8 =	simm.s32 $0x0;
	s21 =	sshll.u32 s6, $0x1;
	s6 =	sadd.s32 s22, s4  }
0x9e: {  	[timem:s8], [sflag:s23] =	dma.local [hbm:s6], s21  }
0x9f: {  	_ =	swait.ge [sflag:s23], s21  }
0xa0: {  	s5 =	ssub.s32 $0x0, s21;
	[sflag:s23] =	ssyncset.done $0x0  }
0xa1: {  	[sflag:s23] =	ssyncadd.s32 s5;
	_ =	sdelay $0x1  }
0xa2: {  	s24 =	simm.s32 $0x1B8B  }
0xa3: {  	_ =	swait.ge [sflag:s24], $0x1  }
0xa4: {  	[sflag:s24] =	ssyncset.done $0x0  }
0xa5: {  	s25 =	simm.s32 $0x1B8E;
	[sflag:s24] =	ssyncadd.s32 $0xFFFFFFFF  }
0xa6: {  	s26 =	simm.s32 $execute0_lowered;
	[smem:$0x3FD2] =	sst s25  }
0xa7: {  	s5 =	sshll.u32 s26, $0x1;
	_ =	strace $0x80000046;
	[dreg:$0x1] =	wrdreg $0xFFFFFFFF  }
0xa8: {  	s28 =	simm.s32 $_size_execute0_lowered;
	s4 =	sadd.s32 s4, s5;
	[dreg:$0x0] =	wrdreg $0x0  }
0xa9: {  	s5 =	sshll.u32 s28, $0x1;
	[dreg:$0x2] =	wrdreg s4  }
0xaa: {  	[dreg:$0x3] =	wrdreg s5  }
0xab: {  	[dreg:$0x4] =	wrdreg $0xC0  }
0xac: {  	_ =	task [dreg:s8], $0x5FFFF  }
0xad: {  	[dreg:$0x1] =	wrdreg $0xFFFFFFFF  }
0xae: {  	[dreg:$0x0] =	wrdreg $0x60  }
0xaf: {  	[dreg:$0x2] =	wrdreg s2  }
0xb0: {  	[dreg:$0x3] =	wrdreg s19  }
0xb1: {  	[dreg:$0x4] =	wrdreg $0x38000  }
0xb2: {  	[dreg:$0x5] =	wrdreg $0x9  }
0xb3: {  	_ =	task.clear_ibuf [dreg:s8], $0x6FFFF;
	_ =	strace $0x90000046  }
0xb4: {  	s29 =	simm.s32 $0x9;
	_ =	strace $0x80000048  }
0xb5: {  	_ =	swait.ge [sflag:s29], $0x1  }
0xb6: {  	[sflag:s29] =	ssyncadd.s32 $0xFFFFFFFF  }
0xb7: {  	_ =	strace $0x90000048  }
0xb8: {  	_ =	sfence  }
0xb9: {  	s30 =	sld [smem:$0x0];
	_ =	sdelay $0x2  }
0xba: {  	s31 =	sshll.u32 s1, $0xD;
	s1 =	sshrl.u32 s1, $0x2  }
0xbb: {  	s3 =	sand.u32 $0x4000, s31;
	s1 =	sadd.s32 s1, s30  }
0xbc: {  	s0 =	sor.u32 s3, s0;
	s1 =	sshll.u32 s1, $0x11  }
0xbd: {  	s0 =	sor.u32 s1, s0  }
0xbe: {  	s0 =	sadd.s32 $0x8F2B, s0  }
0xbf: {  	[sflag:s0] =	ssyncadd.remote.s32 $0x1  }
0xc0: {  	_ =	sfence.sel $0xFFFF  }
0xc1: {  	[dreg:$0x0] =	wrdreg $0xFFFFFFFF;
	(pc) =	sbr.abs _section_cstart, $3  }
0xc2: {  	[dreg:$0x1] =	wrdreg $0xFFFFFFFF  }
0xc3: {  	_ =	task.clear_ibuf [dreg:s8], $0x2FFFF;
	_ =	strace $0x9FFFFFFF  }
0xc4: {  	(tm) =	ssettm $0x7FFFFFFF  }
0xc5: {  	_ =	shalt  }
tec
execute0_lowered:
.L_overlay_start_1:
0x0: {  	(tag) =	ssettag $0x1  }
0x1: {  	s4 =	rddreg [dreg:$0x0]  }
0x2: {  	s1 =	srdreg.scid;
	s7 =	rddreg [dreg:$0x1]  }
0x3: {  	s0 =	stileid.u32;
	s2 =	rddreg [dreg:$0x2];
	s3 =	simm.s32 $0x0  }
0x4: {  	s12 =	simm.s32 $0x3000;
	s13 =	simm.s32 $0x2;
	s14 =	simm.s32 $0x1  }
0x5: {  	s15 =	simm.s32 $0x80;
	s16 =	simm.s32 $0x2800;
	s19 =	simm.s32 $0x0  }
0x6: {  	s5 =	sand.u32 $0x1, s1;
	s30 =	sshll.u32 s0, $0x1;
	s8 =	smul.u32 $0x9E00, s0  }
0x7: {  	[smem:$0x7FF] =	sst s3;
	s11 =	smul.u32 $0x2780, s0;
	s17 =	sshll.u32 s0, $0x6  }
0x8: {  	s1 =	sor.u32 s5, s30;
	s9 =	ssub.s32 $0x2, s5;
	s5 =	smul.u32 $0x27800, s5  }
0x9: {  	s17 =	sor.u32 $0x1C02, s17;
	s6 =	smul.u32 $0x2800, s1;
	s1 =	rddreg [dreg:$0x3]  }
0xa: {  	_ =	strace $0x80000047;
	s10 =	sshrl.u32 s9, $0x1;
	s8 =	sshrl.u32 s8, $0x2  }
0xb: {  	s18 =	sadd.s32 s11, s2;
	s9 =	ssub.s32 s9, s10;
	s6 =	sshrl.u32 s6, $0x3  }
0xc: {  	s31 =	sadd.s32 s11, s5;
	s18 =	sshrl.u32 s18, $0x3;
	s6 =	sadd.s32 s4, s6  }
0xd: {  	s4 =	sadd.s32 s8, s2;
	s8 =	sshrl.u32 s31, $0x3;
	s5 =	sadd.s32 $0xA000, s6  }
0xe: {  	s6 =	sadd.s32 $0x2000, s4;
	s7 =	sadd.s32 s7, s8;
	s8 =	smax.u32 s9, $0x1  }
0xf: {  	v0 =	vimm.f32 $1.000000000e+00;
	v1 =	vimm.f32 $0.0e+00;
	s9 =	sadd.s32 $0x800, s4;
	s10 =	sadd.s32 $0x1000, s4;
	s11 =	sadd.s32 $0x1800, s4  }
.LBB2_1:
0x10: {  	[tilespmem:s3], [sflag:$0x1] =	stream.linear.gather [hbm4b:s5+s3], $0x2800, $0x38;
	[tilespmem:$0x5F80] =	vst v63  }
0x11: {  	s20 =	simm.s32 $0x40;
	s21 =	simm.s32 $0x0  }
.LBB2_2:
0x12: {  	p0 =	sne.s32 s20, $0x1FC0;
	[tilespmem:s21+$0x2800] =	vst v0;
	s22 =	smov.u32 s20;
	s20 =	sadd.s32 $0x40, s20  }
.Ltmp0:
0x13: {  	[tilespmem:s21+$0x3000] =	vst v1;
	(pc) =	sbr.rel @p0 .LBB2_2-.Ltmp0, $2  }
0x14: {  	_ =	sdelay $0x2  }
0x15: {  	s21 =	sshra.s32 s22, $0x2  }
0x16: {  	[tilespmem:s21+$0x2800] =	vst v0  }
0x17: {  	[tilespmem:s21+$0x3000] =	vst v1  }
0x18: {  	[spmem:s4] =	stream.linear.scatter [tilespmem:s12], [sflag:$0x2], $0x800, $0x38;
	[tilespmem:$0x5F80] =	vst v63  }
0x19: {  	_ =	swait.ge [sflag:s13], $0x800  }
0x1a: {  	[sflag:s13] =	ssyncset.done $0x0  }
0x1b: {  	[sflag:s13] =	ssyncadd.s32 $0xFFFFF800  }
0x1c: {  	[spmem:s9] =	stream.linear.scatter [tilespmem:s12], [sflag:$0x2], $0x800, $0x38;
	[tilespmem:$0x5F80] =	vst v63  }
0x1d: {  	_ =	swait.ge [sflag:s13], $0x800  }
0x1e: {  	[sflag:s13] =	ssyncset.done $0x0  }
0x1f: {  	[sflag:s13] =	ssyncadd.s32 $0xFFFFF800  }
0x20: {  	[spmem:s10] =	stream.linear.scatter [tilespmem:s12], [sflag:$0x2], $0x800, $0x38;
	[tilespmem:$0x5F80] =	vst v63  }
0x21: {  	_ =	swait.ge [sflag:s13], $0x800  }
0x22: {  	[sflag:s13] =	ssyncset.done $0x0  }
0x23: {  	[sflag:s13] =	ssyncadd.s32 $0xFFFFF800  }
0x24: {  	[spmem:s11] =	stream.linear.scatter [tilespmem:s12], [sflag:$0x2], $0x800, $0x38;
	[tilespmem:$0x5F80] =	vst v63  }
0x25: {  	_ =	swait.ge [sflag:s13], $0x800  }
0x26: {  	[sflag:s13] =	ssyncset.done $0x0  }
0x27: {  	[sflag:s13] =	ssyncadd.s32 $0xFFFFF800  }
0x28: {  	[spmem:s6] =	stream.linear.scatter [tilespmem:s12], [sflag:$0x2], $0x780, $0x38;
	[tilespmem:$0x5F80] =	vst v63  }
0x29: {  	_ =	swait.ge [sflag:s13], $0x780  }
0x2a: {  	[sflag:s13] =	ssyncset.done $0x0  }
0x2b: {  	[sflag:s13] =	ssyncadd.s32 $0xFFFFF880  }
0x2c: {  	_ =	swait.ge [sflag:s14], $0x2800  }
0x2d: {  	[sflag:s14] =	ssyncset.done $0x0  }
0x2e: {  	[sflag:s14] =	ssyncadd.s32 $0xFFFFD800  }
0x2f: {  	s20 =	simm.s32 $0x0;
	[bflag:$0x0] =	sbarrier.arrive $0xFFFF  }
0x30: {  	[spmem:s2] =	stream.indirect.scatter.add.f32 [tilespmem:s16], [sflag:$0x2], $0x10, s20, s15, $0xb8;
	[tilespmem:$0x5F80] =	vst v63  }
0x31: {  	_ =	swait.ge [sflag:s13], $0x800  }
0x32: {  	s20 =	simm.s32 $0x200;
	[sflag:s13] =	ssyncset.done $0x0  }
.LBB2_4:
0x33: {  	s21 =	sshra.s32 s20, $0x2;
	[sflag:s13] =	ssyncadd.s32 $0xFFFFF800;
	p0 =	sne.s32 s20, $0x9E00  }
0x34: {  	[spmem:s2] =	stream.indirect.scatter.add.f32 [tilespmem:s16], [sflag:$0x2], $0x10, s21, s15, $0xb8;
	[tilespmem:$0x5F80] =	vst v63  }
.Ltmp1:
0x35: {  	_ = 	snop;
	(pc) =	sbr.rel @p0 .LBB2_4-.Ltmp1, $4  }
0x36: {  	_ = 	snop  }
0x37: {  	s20 =	sadd.s32 $0x200, s20  }
0x38: {  	_ =	swait.ge [sflag:s13], $0x800  }
0x39: {  	[sflag:s13] =	ssyncset.done $0x0  }
0x3a: {  	s19 =	sadd.s32 $0x1, s19  }
0x3b: {  	[sflag:s13] =	ssyncadd.s32 $0xFFFFF800;
	p0 =	sne.s32 s19, s8  }
.Ltmp2:
0x3c: {  	[bflag:$0x0] =	sbarrier.arrive $0xFFFF;
	(pc) =	sbr.rel @p0 .LBB2_1-.Ltmp2, $4  }
0x3d: {  	[hbm:s7], [sflag:s17] =	dma.local [spmem:s18], $0x4F0  }
0x3e: {  	_ =	swait.ge [sflag:s13], $0x4F0  }
0x3f: {  	[sflag:s13] =	ssyncset.done $0x0  }
0x40: {  	[sflag:s13] =	ssyncadd.s32 $0xFFFFFB10  }
0x41: {  	_ =	sfence.sel $0x180000  }
0x42: {  	[bflag:$0x0] =	sbarrier.arrive $0xFFFF  }
0x43: {  	p0 =	sne.s32 s0, $0x0;
	_ =	strace $0x90000047  }
0x44: {  	s0 =	sadd.s32 @!p0 $0x100000, s1;
	[bflag:$0x2] =	sbarrier.arrive $0xFFFF  }
0x45: {  	[sflag:s0] =	ssyncadd.tile.s32 @!p0 $0x1;
	_ =	shalt  }
.Lfunc_end2:
_tile_overlayer_lowered:
.L_overlay_start_2:
0x46: {  	(tag) =	ssettag $0x2  }
0x47: {  	s0 =	rddreg [dreg:$0x0];
	s2 =	stileid.u32  }
0x48: {  	s1 =	rddreg [dreg:$0x1];
	p0 =	sne.s32 s2, $0x0  }
0x49: {  	s3 =	rddreg [dreg:$0x2];
	[bflag:$0x3] =	sbarrier.arrive $0xFFFF;
	s2 =	simm.s32 @!p0 $0x1C02  }
0x4a: {  	[timem:s3], [sflag:s2] =	dma.local @!p0 [hbm:s0], s1  }
0x4b: {  	s0 =	simm.s32 @!p0 $0x2  }
0x4c: {  	_ =	swait.ge @!p0 [sflag:s0], s1  }
0x4d: {  	s1 =	ssub.s32 @!p0 $0x0, s1;
	[sflag:s0] =	ssyncset.done @!p0 $0x0  }
0x4e: {  	[sflag:s0] =	ssyncadd.s32 @!p0 s1  }
0x4f: {  	[bflag:$0x3] =	sbarrier.arrive $0xFFFF  }
0x50: {  	_ =	shalt  }

</sc_bundles>
